<compile_context>
chip_gen: v7x
topology: tpu7x:2x2x1
jax: 0.10.2.dev20260603
libtpu: 0.0.44.dev20260713+nightly
codegen_flags: <defaults>
</compile_context>

<pallas_src>
import functools

import jax
import jax.numpy as jnp
from jax import lax
from jax.experimental import pallas as pl
from jax.experimental.pallas import tpu as pltpu
from jax.experimental.pallas import tpu_sc as plsc

QUEUE_SIZE = 32768
BATCH = 4096
DIM = 64
NUM_CORES = 2
NUM_SUBCORES = 16
NUM_WORKERS = NUM_CORES * NUM_SUBCORES
ROW_G = 8
N_ROW_G = DIM // ROW_G
N_COL_S = NUM_WORKERS // N_ROW_G
STRIPE = QUEUE_SIZE // N_COL_S
CHUNK = 4096
NCHUNKS = STRIPE // CHUNK


def _enqueue_body(key_t, queue_t, ptr_hbm, out_t, out_ptr, ptr_v, *scratch):
    bufs = scratch[:NCHUNKS]
    rsems = scratch[NCHUNKS:2 * NCHUNKS]
    wsem = scratch[2 * NCHUNKS]
    cid = lax.axis_index("c")
    sid = lax.axis_index("s")
    wid = cid * NUM_SUBCORES + sid
    r0 = pl.multiple_of((wid // N_COL_S) * ROW_G, ROW_G)
    cs0 = (wid % N_COL_S) * STRIPE

    pltpu.sync_copy(ptr_hbm, ptr_v.at[pl.ds(0, 1)])
    praw = ptr_v[...][0]
    start = pl.multiple_of(jnp.clip(praw, 0, QUEUE_SIZE - BATCH), 128)

    for j in range(NCHUNKS):
        c0 = pl.multiple_of(cs0 + j * CHUNK, 128)
        fully_in = jnp.logical_and(start <= c0, c0 + CHUNK <= start + BATCH)

        @pl.when(fully_in)
        def _():
            pltpu.make_async_copy(
                key_t.at[pl.ds(r0, ROW_G),
                         pl.ds(pl.multiple_of(c0 - start, 128), CHUNK)],
                bufs[j], rsems[j]
            ).start()

        @pl.when(jnp.logical_not(fully_in))
        def _():
            pltpu.make_async_copy(
                queue_t.at[pl.ds(r0, ROW_G), pl.ds(c0, CHUNK)], bufs[j],
                rsems[j]
            ).start()

    for j in range(NCHUNKS):
        c0 = pl.multiple_of(cs0 + j * CHUNK, 128)
        fully_in = jnp.logical_and(start <= c0, c0 + CHUNK <= start + BATCH)
        pltpu.make_async_copy(
            queue_t.at[pl.ds(r0, ROW_G), pl.ds(c0, CHUNK)], bufs[j], rsems[j]
        ).wait()

        lo = jnp.maximum(c0, start)
        hi = jnp.minimum(c0 + CHUNK, start + BATCH)

        @pl.when(jnp.logical_and(jnp.logical_not(fully_in), lo < hi))
        def _():
            def piece(k, carry):
                col = lo + k * 128
                pltpu.sync_copy(
                    key_t.at[pl.ds(r0, ROW_G),
                             pl.ds(pl.multiple_of(col - start, 128), 128)],
                    bufs[j].at[:, pl.ds(pl.multiple_of(col - c0, 128), 128)],
                )
                return carry

            lax.fori_loop(0, (hi - lo) // 128, piece, 0)

        pltpu.make_async_copy(
            bufs[j], out_t.at[pl.ds(r0, ROW_G), pl.ds(c0, CHUNK)], wsem
        ).start()

    @pl.when(wid == 0)
    def _():
        ptr_v[...] = jnp.full((16,), (praw + BATCH) % QUEUE_SIZE, jnp.int32)
        pltpu.sync_copy(ptr_v.at[pl.ds(0, 1)], out_ptr)

    for j in range(NCHUNKS):
        c0 = pl.multiple_of(cs0 + j * CHUNK, 128)
        pltpu.make_async_copy(
            bufs[j], out_t.at[pl.ds(r0, ROW_G), pl.ds(c0, CHUNK)], wsem
        ).wait()


_enqueue = functools.partial(
    pl.kernel,
    out_type=[
        jax.ShapeDtypeStruct((DIM, QUEUE_SIZE), jnp.float32),
        jax.ShapeDtypeStruct((1,), jnp.int32),
    ],
    scratch_types=(
        [pltpu.VMEM((16,), jnp.int32)]
        + [pltpu.VMEM((ROW_G, CHUNK), jnp.float32) for _ in range(NCHUNKS)]
        + [pltpu.SemaphoreType.DMA for _ in range(NCHUNKS)]
        + [pltpu.SemaphoreType.DMA]
    ),
    mesh=plsc.VectorSubcoreMesh(core_axis_name="c", subcore_axis_name="s"),
)(_enqueue_body)


def kernel(key, queue, queue_ptr):
    out_t, new_ptr = _enqueue(key.T, queue.T, queue_ptr)
    return out_t.T, new_ptr

# --- scband reference (transcript-rebuilt; emitter-appended) ---
"""Pipeline reference for scband-queue-3805341024367 (READ-ONLY COPY).

The authoritative reference and input builder live on the scoring server;
editing this copy changes nothing except your own understanding.
"""

import jax, jax.numpy as jnp
import numpy as np

QUEUE_SIZE = 32768
CODEBOOK_DIM = 64
CODEBOOK_SIZE = 8192
BATCH = 4096


def setup_inputs(seed: int = 0) -> dict:
    key = jax.random.key(seed)
    k1, k2 = jax.random.split(key)
    key_feat = jax.random.normal(k1, (BATCH, CODEBOOK_DIM), dtype=jnp.float32)
    # registered buffers: queue initialized as randn / codebook_size, ptr = 0
    queue = jax.random.normal(k2, (QUEUE_SIZE, CODEBOOK_DIM), dtype=jnp.float32) / CODEBOOK_SIZE
    queue_ptr = jnp.zeros((1,), dtype=jnp.int32)
    return {"key": key_feat, "queue": queue, "queue_ptr": queue_ptr}


def reference(key, queue, queue_ptr):
    # Faithful translation of Queue.dequeue_and_enqueue:
    #   self.queue[ptr:ptr+batch_size, :] = key   (scatter-overwrite of contiguous rows)
    #   ptr = (ptr + batch_size) % queue_size
    batch_size = key.shape[0]
    ptr = queue_ptr[0]
    zero = jnp.zeros((), dtype=ptr.dtype)
    new_queue = jax.lax.dynamic_update_slice(queue, key, (ptr, zero))
    new_ptr = jnp.mod(ptr + batch_size, QUEUE_SIZE).reshape(1).astype(queue_ptr.dtype)
    return (new_queue, new_ptr)

if __name__ == "__main__":
    import jax
    _d = setup_inputs()
    print(jax.jit(kernel)(*tuple(_d.values())))

</pallas_src>

<mosaic_0001>
#map = affine_map<(d0, d1) -> (0, 0)>
#map1 = affine_map<(d0, d1) -> (0)>
module attributes {stable_mosaic.version = 14 : i64} {
  func.func @_enqueue_body(%arg0: i32, %arg1: i32, %arg2: memref<64x4096xf32, #tpu.memory_space<hbm>>, %arg3: memref<64x32768xf32, #tpu.memory_space<hbm>>, %arg4: memref<1xi32, #tpu.memory_space<hbm>>, %arg5: memref<64x32768xf32, #tpu.memory_space<hbm>>, %arg6: memref<1xi32, #tpu.memory_space<hbm>>, %arg7: memref<16xi32, #tpu.memory_space<vmem>>, %arg8: memref<8x4096xf32, #tpu.memory_space<vmem>>, %arg9: memref<8x4096xf32, #tpu.memory_space<vmem>>, %arg10: memref<!tpu.dma_semaphore, #tpu.memory_space<semaphore_mem>>, %arg11: memref<!tpu.dma_semaphore, #tpu.memory_space<semaphore_mem>>, %arg12: memref<!tpu.dma_semaphore, #tpu.memory_space<semaphore_mem>>) attributes {dimension_semantics = [#tpu.dimension_semantics<core_parallel>, #tpu.dimension_semantics<subcore_parallel>], iteration_bounds = array<i64: 2, 16>, scalar_prefetch = 0 : i64, scratch_operands = 6 : i64, tpu.core_type = #tpu.core_type<sc_vector_subcore>, window_params = [{transform_indices = #map}, {transform_indices = #map}, {transform_indices = #map1}, {transform_indices = #map}, {transform_indices = #map1}]} {
    %mul3A = arith.constant 16 : i32
    %mul3A_0 = arith.muli %arg0, %mul3A : i32
    %add3A = arith.addi %mul3A_0, %arg1 : i32
    %jit3A = arith.constant 4 : i32
    %div3A = arith.divsi %add3A, %jit3A : i32
    %sign3A = arith.constant 0 : i32
    %sign3A_1 = arith.cmpi sgt, %add3A, %sign3A : i32
    %sign3A_2 = arith.extui %sign3A_1 : i1 to i32
    %sign3A_3 = arith.constant 0 : i32
    %sign3A_4 = arith.cmpi slt, %add3A, %sign3A_3 : i32
    %sign3A_5 = arith.extui %sign3A_4 : i1 to i32
    %sign3A_6 = arith.subi %sign3A_2, %sign3A_5 : i32
    %sign3A_7 = arith.constant 0 : i32
    %sign3A_8 = arith.cmpi sgt, %jit3A, %sign3A_7 : i32
    %sign3A_9 = arith.extui %sign3A_8 : i1 to i32
    %sign3A_10 = arith.constant 0 : i32
    %sign3A_11 = arith.cmpi slt, %jit3A, %sign3A_10 : i32
    %sign3A_12 = arith.extui %sign3A_11 : i1 to i32
    %sign3A_13 = arith.subi %sign3A_9, %sign3A_12 : i32
    %ne3A = arith.cmpi ne, %sign3A_6, %sign3A_13 : i32
    %rem3A = arith.remsi %add3A, %jit3A : i32
    %ne3A_14 = arith.constant 0 : i32
    %ne3A_15 = arith.cmpi ne, %rem3A, %ne3A_14 : i32
    %and3A = arith.andi %ne3A, %ne3A_15 : i1
    %sub3A = arith.constant 1 : i32
    %sub3A_16 = arith.subi %div3A, %sub3A : i32
    %select_n3A = arith.select %and3A, %sub3A_16, %div3A : i32
    %mul3A_17 = arith.constant 8 : i32
    %mul3A_18 = arith.muli %select_n3A, %mul3A_17 : i32
    %multiple_of3A = tpu.assume_multiple %mul3A_18, 8 : i32
    %jit3A_19 = arith.constant 4 : i32
    %eq3A = arith.constant 0 : i32
    %eq3A_20 = arith.cmpi eq, %jit3A_19, %eq3A : i32
    %jit3A_21 = arith.constant 1 : i32
    %select_n3A_22 = arith.select %eq3A_20, %jit3A_21, %jit3A_19 : i32
    %rem3A_23 = arith.remsi %add3A, %select_n3A_22 : i32
    %ne3A_24 = arith.constant 0 : i32
    %ne3A_25 = arith.cmpi ne, %rem3A_23, %ne3A_24 : i32
    %lt3A = arith.constant 0 : i32
    %lt3A_26 = arith.cmpi slt, %rem3A_23, %lt3A : i32
    %lt3A_27 = arith.constant 0 : i32
    %lt3A_28 = arith.cmpi slt, %select_n3A_22, %lt3A_27 : i32
    %ne3A_29 = arith.xori %lt3A_26, %lt3A_28 : i1
    %and3A_30 = arith.andi %ne3A_29, %ne3A_25 : i1
    %add3A_31 = arith.addi %rem3A_23, %select_n3A_22 : i32
    %select_n3A_32 = arith.select %and3A_30, %add3A_31, %rem3A_23 : i32
    %mul3A_33 = arith.constant 8192 : i32
    %mul3A_34 = arith.muli %select_n3A_32, %mul3A_33 : i32
    "tpu.region"() ({
      %run_scoped3A = tpu.sem_alloc : memref<!tpu.dma_semaphore, #tpu.memory_space<semaphore_mem>>
      %dma_start3A_139 = arith.constant 0 : i32
      %dma_start3A_140 = tpu.memref_slice %arg7[%dma_start3A_139] : memref<16xi32, #tpu.memory_space<vmem>> -> memref<1xi32, #tpu.memory_space<vmem>>
      %dma_start3A_141 = arith.constant 0 : i32
      %dma_start3A_142 = tpu.memref_slice %arg7[%dma_start3A_141] : memref<16xi32, #tpu.memory_space<vmem>> -> memref<1xi32, #tpu.memory_space<vmem>>
      tpu.enqueue_dma source(%arg4 : memref<1xi32, #tpu.memory_space<hbm>>) target(%dma_start3A_142 : memref<1xi32, #tpu.memory_space<vmem>>) target_semaphore(%run_scoped3A : memref<!tpu.dma_semaphore, #tpu.memory_space<semaphore_mem>>)
      %dma_wait3A_143 = arith.constant 0 : i32
      %dma_wait3A_144 = tpu.memref_slice %arg7[%dma_wait3A_143] : memref<16xi32, #tpu.memory_space<vmem>> -> memref<1xi32, #tpu.memory_space<vmem>>
      %dma_wait3A_145 = arith.constant 0 : i32
      %dma_wait3A_146 = tpu.memref_slice %arg7[%dma_wait3A_145] : memref<16xi32, #tpu.memory_space<vmem>> -> memref<1xi32, #tpu.memory_space<vmem>>
      tpu.wait_dma2 semaphore(%run_scoped3A : memref<!tpu.dma_semaphore, #tpu.memory_space<semaphore_mem>>) src(%arg4 : memref<1xi32, #tpu.memory_space<hbm>>) dst(%dma_wait3A_146 : memref<1xi32, #tpu.memory_space<vmem>>)
      tpu.yield
    }) : () -> ()
    %get3A = arith.constant 0 : index
    %get3A_35 = tpu.vector_load %arg7[%get3A] {strides = array<i32>} : memref<16xi32, #tpu.memory_space<vmem>>, vector<16xi32>,
    %get3A_36 = vector.shape_cast %get3A_35 : vector<16xi32> to vector<16xi32>
    %slice3A = vector.extract_strided_slice %get3A_36 {offsets = [0], sizes = [1], strides = [1]} : vector<16xi32> to vector<1xi32>
    %squeeze3A = vector.extract %slice3A[0] : i32 from vector<1xi32>
    %jit3A_37 = arith.constant 0 : i32
    %jit3A_38 = arith.constant 28672 : i32
    %max3A = arith.maxsi %jit3A_37, %squeeze3A : i32
    %min3A = arith.minsi %jit3A_38, %max3A : i32
    %multiple_of3A_39 = tpu.assume_multiple %min3A, 128 : i32
    %add3A_40 = arith.constant 0 : i32
    %add3A_41 = arith.addi %mul3A_34, %add3A_40 : i32
    %multiple_of3A_42 = tpu.assume_multiple %add3A_41, 128 : i32
    %le3A = arith.cmpi sle, %multiple_of3A_39, %multiple_of3A_42 : i32
    %add3A_43 = arith.constant 4096 : i32
    %add3A_44 = arith.addi %multiple_of3A_42, %add3A_43 : i32
    %add3A_45 = arith.constant 4096 : i32
    %add3A_46 = arith.addi %multiple_of3A_39, %add3A_45 : i32
    %le3A_47 = arith.cmpi sle, %add3A_44, %add3A_46 : i32
    %and3A_48 = arith.andi %le3A, %le3A_47 : i1
    %convert_element_type3A = arith.extui %and3A_48 : i1 to i32
    %cond3A = arith.constant 0 : i32
    %cond3A_49 = arith.cmpi ne, %convert_element_type3A, %cond3A : i32
    scf.if %cond3A_49 {
      %sub3A_139 = arith.subi %multiple_of3A_42, %multiple_of3A_39 : i32
      %multiple_of3A_140 = tpu.assume_multiple %sub3A_139, 128 : i32
      %dma_start3A_141 = tpu.memref_slice %arg2[%multiple_of3A, %multiple_of3A_140] : memref<64x4096xf32, #tpu.memory_space<hbm>> -> memref<8x4096xf32, #tpu.memory_space<hbm>>
      %dma_start3A_142 = tpu.memref_slice %arg2[%multiple_of3A, %multiple_of3A_140] : memref<64x4096xf32, #tpu.memory_space<hbm>> -> memref<8x4096xf32, #tpu.memory_space<hbm>>
      tpu.enqueue_dma source(%dma_start3A_142 : memref<8x4096xf32, #tpu.memory_space<hbm>>) target(%arg8 : memref<8x4096xf32, #tpu.memory_space<vmem>>) target_semaphore(%arg10 : memref<!tpu.dma_semaphore, #tpu.memory_space<semaphore_mem>>)
    } else {
    }
    %not3A = arith.constant true
    %not3A_50 = arith.xori %and3A_48, %not3A : i1
    %convert_element_type3A_51 = arith.extui %not3A_50 : i1 to i32
    %cond3A_52 = arith.constant 0 : i32
    %cond3A_53 = arith.cmpi ne, %convert_element_type3A_51, %cond3A_52 : i32
    scf.if %cond3A_53 {
      %dma_start3A_139 = tpu.memref_slice %arg3[%multiple_of3A, %multiple_of3A_42] : memref<64x32768xf32, #tpu.memory_space<hbm>> -> memref<8x4096xf32, #tpu.memory_space<hbm>>
      %dma_start3A_140 = tpu.memref_slice %arg3[%multiple_of3A, %multiple_of3A_42] : memref<64x32768xf32, #tpu.memory_space<hbm>> -> memref<8x4096xf32, #tpu.memory_space<hbm>>
      tpu.enqueue_dma source(%dma_start3A_140 : memref<8x4096xf32, #tpu.memory_space<hbm>>) target(%arg8 : memref<8x4096xf32, #tpu.memory_space<vmem>>) target_semaphore(%arg10 : memref<!tpu.dma_semaphore, #tpu.memory_space<semaphore_mem>>)
    } else {
    }
    %add3A_54 = arith.constant 4096 : i32
    %add3A_55 = arith.addi %mul3A_34, %add3A_54 : i32
    %multiple_of3A_56 = tpu.assume_multiple %add3A_55, 128 : i32
    %le3A_57 = arith.cmpi sle, %multiple_of3A_39, %multiple_of3A_56 : i32
    %add3A_58 = arith.constant 4096 : i32
    %add3A_59 = arith.addi %multiple_of3A_56, %add3A_58 : i32
    %add3A_60 = arith.constant 4096 : i32
    %add3A_61 = arith.addi %multiple_of3A_39, %add3A_60 : i32
    %le3A_62 = arith.cmpi sle, %add3A_59, %add3A_61 : i32
    %and3A_63 = arith.andi %le3A_57, %le3A_62 : i1
    %convert_element_type3A_64 = arith.extui %and3A_63 : i1 to i32
    %cond3A_65 = arith.constant 0 : i32
    %cond3A_66 = arith.cmpi ne, %convert_element_type3A_64, %cond3A_65 : i32
    scf.if %cond3A_66 {
      %sub3A_139 = arith.subi %multiple_of3A_56, %multiple_of3A_39 : i32
      %multiple_of3A_140 = tpu.assume_multiple %sub3A_139, 128 : i32
      %dma_start3A_141 = tpu.memref_slice %arg2[%multiple_of3A, %multiple_of3A_140] : memref<64x4096xf32, #tpu.memory_space<hbm>> -> memref<8x4096xf32, #tpu.memory_space<hbm>>
      %dma_start3A_142 = tpu.memref_slice %arg2[%multiple_of3A, %multiple_of3A_140] : memref<64x4096xf32, #tpu.memory_space<hbm>> -> memref<8x4096xf32, #tpu.memory_space<hbm>>
      tpu.enqueue_dma source(%dma_start3A_142 : memref<8x4096xf32, #tpu.memory_space<hbm>>) target(%arg9 : memref<8x4096xf32, #tpu.memory_space<vmem>>) target_semaphore(%arg11 : memref<!tpu.dma_semaphore, #tpu.memory_space<semaphore_mem>>)
    } else {
    }
    %not3A_67 = arith.constant true
    %not3A_68 = arith.xori %and3A_63, %not3A_67 : i1
    %convert_element_type3A_69 = arith.extui %not3A_68 : i1 to i32
    %cond3A_70 = arith.constant 0 : i32
    %cond3A_71 = arith.cmpi ne, %convert_element_type3A_69, %cond3A_70 : i32
    scf.if %cond3A_71 {
      %dma_start3A_139 = tpu.memref_slice %arg3[%multiple_of3A, %multiple_of3A_56] : memref<64x32768xf32, #tpu.memory_space<hbm>> -> memref<8x4096xf32, #tpu.memory_space<hbm>>
      %dma_start3A_140 = tpu.memref_slice %arg3[%multiple_of3A, %multiple_of3A_56] : memref<64x32768xf32, #tpu.memory_space<hbm>> -> memref<8x4096xf32, #tpu.memory_space<hbm>>
      tpu.enqueue_dma source(%dma_start3A_140 : memref<8x4096xf32, #tpu.memory_space<hbm>>) target(%arg9 : memref<8x4096xf32, #tpu.memory_space<vmem>>) target_semaphore(%arg11 : memref<!tpu.dma_semaphore, #tpu.memory_space<semaphore_mem>>)
    } else {
    }
    %add3A_72 = arith.constant 0 : i32
    %add3A_73 = arith.addi %mul3A_34, %add3A_72 : i32
    %multiple_of3A_74 = tpu.assume_multiple %add3A_73, 128 : i32
    %le3A_75 = arith.cmpi sle, %multiple_of3A_39, %multiple_of3A_74 : i32
    %add3A_76 = arith.constant 4096 : i32
    %add3A_77 = arith.addi %multiple_of3A_74, %add3A_76 : i32
    %add3A_78 = arith.constant 4096 : i32
    %add3A_79 = arith.addi %multiple_of3A_39, %add3A_78 : i32
    %le3A_80 = arith.cmpi sle, %add3A_77, %add3A_79 : i32
    %and3A_81 = arith.andi %le3A_75, %le3A_80 : i1
    %dma_wait3A = tpu.memref_slice %arg3[%multiple_of3A, %multiple_of3A_74] : memref<64x32768xf32, #tpu.memory_space<hbm>> -> memref<8x4096xf32, #tpu.memory_space<hbm>>
    %dma_wait3A_82 = tpu.memref_slice %arg3[%multiple_of3A, %multiple_of3A_74] : memref<64x32768xf32, #tpu.memory_space<hbm>> -> memref<8x4096xf32, #tpu.memory_space<hbm>>
    tpu.wait_dma2 semaphore(%arg10 : memref<!tpu.dma_semaphore, #tpu.memory_space<semaphore_mem>>) src(%dma_wait3A_82 : memref<8x4096xf32, #tpu.memory_space<hbm>>) dst(%arg8 : memref<8x4096xf32, #tpu.memory_space<vmem>>)
    %max3A_83 = arith.maxsi %multiple_of3A_74, %multiple_of3A_39 : i32
    %add3A_84 = arith.constant 4096 : i32
    %add3A_85 = arith.addi %multiple_of3A_74, %add3A_84 : i32
    %add3A_86 = arith.constant 4096 : i32
    %add3A_87 = arith.addi %multiple_of3A_39, %add3A_86 : i32
    %min3A_88 = arith.minsi %add3A_85, %add3A_87 : i32
    %not3A_89 = arith.constant true
    %not3A_90 = arith.xori %and3A_81, %not3A_89 : i1
    %lt3A_91 = arith.cmpi slt, %max3A_83, %min3A_88 : i32
    %and3A_92 = arith.andi %not3A_90, %lt3A_91 : i1
    %convert_element_type3A_93 = arith.extui %and3A_92 : i1 to i32
    %cond3A_94 = arith.constant 0 : i32
    %cond3A_95 = arith.cmpi ne, %convert_element_type3A_93, %cond3A_94 : i32
    scf.if %cond3A_95 {
      %sub3A_139 = arith.subi %min3A_88, %max3A_83 : i32
      %jit3A_140 = arith.constant 128 : i32
      %div3A_141 = arith.divsi %sub3A_139, %jit3A_140 : i32
      %sign3A_142 = arith.constant 0 : i32
      %sign3A_143 = arith.cmpi sgt, %sub3A_139, %sign3A_142 : i32
      %sign3A_144 = arith.extui %sign3A_143 : i1 to i32
      %sign3A_145 = arith.constant 0 : i32
      %sign3A_146 = arith.cmpi slt, %sub3A_139, %sign3A_145 : i32
      %sign3A_147 = arith.extui %sign3A_146 : i1 to i32
      %sign3A_148 = arith.subi %sign3A_144, %sign3A_147 : i32
      %sign3A_149 = arith.constant 0 : i32
      %sign3A_150 = arith.cmpi sgt, %jit3A_140, %sign3A_149 : i32
      %sign3A_151 = arith.extui %sign3A_150 : i1 to i32
      %sign3A_152 = arith.constant 0 : i32
      %sign3A_153 = arith.cmpi slt, %jit3A_140, %sign3A_152 : i32
      %sign3A_154 = arith.extui %sign3A_153 : i1 to i32
      %sign3A_155 = arith.subi %sign3A_151, %sign3A_154 : i32
      %ne3A_156 = arith.cmpi ne, %sign3A_148, %sign3A_155 : i32
      %rem3A_157 = arith.remsi %sub3A_139, %jit3A_140 : i32
      %ne3A_158 = arith.constant 0 : i32
      %ne3A_159 = arith.cmpi ne, %rem3A_157, %ne3A_158 : i32
      %and3A_160 = arith.andi %ne3A_156, %ne3A_159 : i1
      %sub3A_161 = arith.constant 1 : i32
      %sub3A_162 = arith.subi %div3A_141, %sub3A_161 : i32
      %select_n3A_163 = arith.select %and3A_160, %sub3A_162, %div3A_141 : i32
      %while3A = arith.constant 0 : i32
      %while3A_164 = arith.constant 0 : i32
      %while3A_165 = arith.subi %select_n3A_163, %while3A_164 : i32
      %while3A_166 = arith.addi %while3A_164, %while3A_165 : i32
      %while3A_167 = arith.constant 1 : i32
      %while3A_168 = arith.divsi %while3A_165, %while3A_167 : i32
      %while3A_169 = arith.muli %while3A_168, %while3A_167 : i32
      %while3A_170 = arith.addi %while3A_164, %while3A_169 : i32
      %while3A_171 = arith.constant 1 : i32
      scf.for %while3A_173 = %while3A_164 to %while3A_170 step %while3A_171  : i32 {
        %mul3A_174 = arith.constant 128 : i32
        %mul3A_175 = arith.muli %while3A_173, %mul3A_174 : i32
        %add3A_176 = arith.addi %max3A_83, %mul3A_175 : i32
        %sub3A_177 = arith.subi %add3A_176, %multiple_of3A_39 : i32
        %multiple_of3A_178 = tpu.assume_multiple %sub3A_177, 128 : i32
        %sub3A_179 = arith.subi %add3A_176, %multiple_of3A_74 : i32
        %multiple_of3A_180 = tpu.assume_multiple %sub3A_179, 128 : i32
        "tpu.region"() ({
          %run_scoped3A = tpu.sem_alloc : memref<!tpu.dma_semaphore, #tpu.memory_space<semaphore_mem>>
          %dma_start3A_181 = arith.constant 0 : i32
          %dma_start3A_182 = tpu.memref_slice %arg8[%dma_start3A_181, %multiple_of3A_180] : memref<8x4096xf32, #tpu.memory_space<vmem>> -> memref<8x128xf32, #tpu.memory_space<vmem>>
          %dma_start3A_183 = tpu.memref_slice %arg2[%multiple_of3A, %multiple_of3A_178] : memref<64x4096xf32, #tpu.memory_space<hbm>> -> memref<8x128xf32, #tpu.memory_space<hbm>>
          %dma_start3A_184 = arith.constant 0 : i32
          %dma_start3A_185 = tpu.memref_slice %arg8[%dma_start3A_184, %multiple_of3A_180] : memref<8x4096xf32, #tpu.memory_space<vmem>> -> memref<8x128xf32, #tpu.memory_space<vmem>>
          %dma_start3A_186 = tpu.memref_slice %arg2[%multiple_of3A, %multiple_of3A_178] : memref<64x4096xf32, #tpu.memory_space<hbm>> -> memref<8x128xf32, #tpu.memory_space<hbm>>
          tpu.enqueue_dma source(%dma_start3A_186 : memref<8x128xf32, #tpu.memory_space<hbm>>) target(%dma_start3A_185 : memref<8x128xf32, #tpu.memory_space<vmem>>) target_semaphore(%run_scoped3A : memref<!tpu.dma_semaphore, #tpu.memory_space<semaphore_mem>>)
          %dma_wait3A_187 = arith.constant 0 : i32
          %dma_wait3A_188 = tpu.memref_slice %arg8[%dma_wait3A_187, %multiple_of3A_180] : memref<8x4096xf32, #tpu.memory_space<vmem>> -> memref<8x128xf32, #tpu.memory_space<vmem>>
          %dma_wait3A_189 = tpu.memref_slice %arg2[%multiple_of3A, %multiple_of3A_178] : memref<64x4096xf32, #tpu.memory_space<hbm>> -> memref<8x128xf32, #tpu.memory_space<hbm>>
          %dma_wait3A_190 = arith.constant 0 : i32
          %dma_wait3A_191 = tpu.memref_slice %arg8[%dma_wait3A_190, %multiple_of3A_180] : memref<8x4096xf32, #tpu.memory_space<vmem>> -> memref<8x128xf32, #tpu.memory_space<vmem>>
          %dma_wait3A_192 = tpu.memref_slice %arg2[%multiple_of3A, %multiple_of3A_178] : memref<64x4096xf32, #tpu.memory_space<hbm>> -> memref<8x128xf32, #tpu.memory_space<hbm>>
          tpu.wait_dma2 semaphore(%run_scoped3A : memref<!tpu.dma_semaphore, #tpu.memory_space<semaphore_mem>>) src(%dma_wait3A_192 : memref<8x128xf32, #tpu.memory_space<hbm>>) dst(%dma_wait3A_191 : memref<8x128xf32, #tpu.memory_space<vmem>>)
          tpu.yield
        }) : () -> ()
      }
      %while3A_172 = arith.constant 1 : i32
      scf.for %while3A_173 = %while3A_170 to %while3A_166 step %while3A_172  : i32 {
        %mul3A_174 = arith.constant 128 : i32
        %mul3A_175 = arith.muli %while3A_173, %mul3A_174 : i32
        %add3A_176 = arith.addi %max3A_83, %mul3A_175 : i32
        %sub3A_177 = arith.subi %add3A_176, %multiple_of3A_39 : i32
        %multiple_of3A_178 = tpu.assume_multiple %sub3A_177, 128 : i32
        %sub3A_179 = arith.subi %add3A_176, %multiple_of3A_74 : i32
        %multiple_of3A_180 = tpu.assume_multiple %sub3A_179, 128 : i32
        "tpu.region"() ({
          %run_scoped3A = tpu.sem_alloc : memref<!tpu.dma_semaphore, #tpu.memory_space<semaphore_mem>>
          %dma_start3A_181 = arith.constant 0 : i32
          %dma_start3A_182 = tpu.memref_slice %arg8[%dma_start3A_181, %multiple_of3A_180] : memref<8x4096xf32, #tpu.memory_space<vmem>> -> memref<8x128xf32, #tpu.memory_space<vmem>>
          %dma_start3A_183 = tpu.memref_slice %arg2[%multiple_of3A, %multiple_of3A_178] : memref<64x4096xf32, #tpu.memory_space<hbm>> -> memref<8x128xf32, #tpu.memory_space<hbm>>
          %dma_start3A_184 = arith.constant 0 : i32
          %dma_start3A_185 = tpu.memref_slice %arg8[%dma_start3A_184, %multiple_of3A_180] : memref<8x4096xf32, #tpu.memory_space<vmem>> -> memref<8x128xf32, #tpu.memory_space<vmem>>
          %dma_start3A_186 = tpu.memref_slice %arg2[%multiple_of3A, %multiple_of3A_178] : memref<64x4096xf32, #tpu.memory_space<hbm>> -> memref<8x128xf32, #tpu.memory_space<hbm>>
          tpu.enqueue_dma source(%dma_start3A_186 : memref<8x128xf32, #tpu.memory_space<hbm>>) target(%dma_start3A_185 : memref<8x128xf32, #tpu.memory_space<vmem>>) target_semaphore(%run_scoped3A : memref<!tpu.dma_semaphore, #tpu.memory_space<semaphore_mem>>)
          %dma_wait3A_187 = arith.constant 0 : i32
          %dma_wait3A_188 = tpu.memref_slice %arg8[%dma_wait3A_187, %multiple_of3A_180] : memref<8x4096xf32, #tpu.memory_space<vmem>> -> memref<8x128xf32, #tpu.memory_space<vmem>>
          %dma_wait3A_189 = tpu.memref_slice %arg2[%multiple_of3A, %multiple_of3A_178] : memref<64x4096xf32, #tpu.memory_space<hbm>> -> memref<8x128xf32, #tpu.memory_space<hbm>>
          %dma_wait3A_190 = arith.constant 0 : i32
          %dma_wait3A_191 = tpu.memref_slice %arg8[%dma_wait3A_190, %multiple_of3A_180] : memref<8x4096xf32, #tpu.memory_space<vmem>> -> memref<8x128xf32, #tpu.memory_space<vmem>>
          %dma_wait3A_192 = tpu.memref_slice %arg2[%multiple_of3A, %multiple_of3A_178] : memref<64x4096xf32, #tpu.memory_space<hbm>> -> memref<8x128xf32, #tpu.memory_space<hbm>>
          tpu.wait_dma2 semaphore(%run_scoped3A : memref<!tpu.dma_semaphore, #tpu.memory_space<semaphore_mem>>) src(%dma_wait3A_192 : memref<8x128xf32, #tpu.memory_space<hbm>>) dst(%dma_wait3A_191 : memref<8x128xf32, #tpu.memory_space<vmem>>)
          tpu.yield
        }) : () -> ()
      }
    } else {
    }
    %dma_start3A = tpu.memref_slice %arg5[%multiple_of3A, %multiple_of3A_74] : memref<64x32768xf32, #tpu.memory_space<hbm>> -> memref<8x4096xf32, #tpu.memory_space<hbm>>
    %dma_start3A_96 = tpu.memref_slice %arg5[%multiple_of3A, %multiple_of3A_74] : memref<64x32768xf32, #tpu.memory_space<hbm>> -> memref<8x4096xf32, #tpu.memory_space<hbm>>
    tpu.enqueue_dma source(%arg8 : memref<8x4096xf32, #tpu.memory_space<vmem>>) target(%dma_start3A_96 : memref<8x4096xf32, #tpu.memory_space<hbm>>) target_semaphore(%arg12 : memref<!tpu.dma_semaphore, #tpu.memory_space<semaphore_mem>>)
    %add3A_97 = arith.constant 4096 : i32
    %add3A_98 = arith.addi %mul3A_34, %add3A_97 : i32
    %multiple_of3A_99 = tpu.assume_multiple %add3A_98, 128 : i32
    %le3A_100 = arith.cmpi sle, %multiple_of3A_39, %multiple_of3A_99 : i32
    %add3A_101 = arith.constant 4096 : i32
    %add3A_102 = arith.addi %multiple_of3A_99, %add3A_101 : i32
    %add3A_103 = arith.constant 4096 : i32
    %add3A_104 = arith.addi %multiple_of3A_39, %add3A_103 : i32
    %le3A_105 = arith.cmpi sle, %add3A_102, %add3A_104 : i32
    %and3A_106 = arith.andi %le3A_100, %le3A_105 : i1
    %dma_wait3A_107 = tpu.memref_slice %arg3[%multiple_of3A, %multiple_of3A_99] : memref<64x32768xf32, #tpu.memory_space<hbm>> -> memref<8x4096xf32, #tpu.memory_space<hbm>>
    %dma_wait3A_108 = tpu.memref_slice %arg3[%multiple_of3A, %multiple_of3A_99] : memref<64x32768xf32, #tpu.memory_space<hbm>> -> memref<8x4096xf32, #tpu.memory_space<hbm>>
    tpu.wait_dma2 semaphore(%arg11 : memref<!tpu.dma_semaphore, #tpu.memory_space<semaphore_mem>>) src(%dma_wait3A_108 : memref<8x4096xf32, #tpu.memory_space<hbm>>) dst(%arg9 : memref<8x4096xf32, #tpu.memory_space<vmem>>)
    %max3A_109 = arith.maxsi %multiple_of3A_99, %multiple_of3A_39 : i32
    %add3A_110 = arith.constant 4096 : i32
    %add3A_111 = arith.addi %multiple_of3A_99, %add3A_110 : i32
    %add3A_112 = arith.constant 4096 : i32
    %add3A_113 = arith.addi %multiple_of3A_39, %add3A_112 : i32
    %min3A_114 = arith.minsi %add3A_111, %add3A_113 : i32
    %not3A_115 = arith.constant true
    %not3A_116 = arith.xori %and3A_106, %not3A_115 : i1
    %lt3A_117 = arith.cmpi slt, %max3A_109, %min3A_114 : i32
    %and3A_118 = arith.andi %not3A_116, %lt3A_117 : i1
    %convert_element_type3A_119 = arith.extui %and3A_118 : i1 to i32
    %cond3A_120 = arith.constant 0 : i32
    %cond3A_121 = arith.cmpi ne, %convert_element_type3A_119, %cond3A_120 : i32
    scf.if %cond3A_121 {
      %sub3A_139 = arith.subi %min3A_114, %max3A_109 : i32
      %jit3A_140 = arith.constant 128 : i32
      %div3A_141 = arith.divsi %sub3A_139, %jit3A_140 : i32
      %sign3A_142 = arith.constant 0 : i32
      %sign3A_143 = arith.cmpi sgt, %sub3A_139, %sign3A_142 : i32
      %sign3A_144 = arith.extui %sign3A_143 : i1 to i32
      %sign3A_145 = arith.constant 0 : i32
      %sign3A_146 = arith.cmpi slt, %sub3A_139, %sign3A_145 : i32
      %sign3A_147 = arith.extui %sign3A_146 : i1 to i32
      %sign3A_148 = arith.subi %sign3A_144, %sign3A_147 : i32
      %sign3A_149 = arith.constant 0 : i32
      %sign3A_150 = arith.cmpi sgt, %jit3A_140, %sign3A_149 : i32
      %sign3A_151 = arith.extui %sign3A_150 : i1 to i32
      %sign3A_152 = arith.constant 0 : i32
      %sign3A_153 = arith.cmpi slt, %jit3A_140, %sign3A_152 : i32
      %sign3A_154 = arith.extui %sign3A_153 : i1 to i32
      %sign3A_155 = arith.subi %sign3A_151, %sign3A_154 : i32
      %ne3A_156 = arith.cmpi ne, %sign3A_148, %sign3A_155 : i32
      %rem3A_157 = arith.remsi %sub3A_139, %jit3A_140 : i32
      %ne3A_158 = arith.constant 0 : i32
      %ne3A_159 = arith.cmpi ne, %rem3A_157, %ne3A_158 : i32
      %and3A_160 = arith.andi %ne3A_156, %ne3A_159 : i1
      %sub3A_161 = arith.constant 1 : i32
      %sub3A_162 = arith.subi %div3A_141, %sub3A_161 : i32
      %select_n3A_163 = arith.select %and3A_160, %sub3A_162, %div3A_141 : i32
      %while3A = arith.constant 0 : i32
      %while3A_164 = arith.constant 0 : i32
      %while3A_165 = arith.subi %select_n3A_163, %while3A_164 : i32
      %while3A_166 = arith.addi %while3A_164, %while3A_165 : i32
      %while3A_167 = arith.constant 1 : i32
      %while3A_168 = arith.divsi %while3A_165, %while3A_167 : i32
      %while3A_169 = arith.muli %while3A_168, %while3A_167 : i32
      %while3A_170 = arith.addi %while3A_164, %while3A_169 : i32
      %while3A_171 = arith.constant 1 : i32
      scf.for %while3A_173 = %while3A_164 to %while3A_170 step %while3A_171  : i32 {
        %mul3A_174 = arith.constant 128 : i32
        %mul3A_175 = arith.muli %while3A_173, %mul3A_174 : i32
        %add3A_176 = arith.addi %max3A_109, %mul3A_175 : i32
        %sub3A_177 = arith.subi %add3A_176, %multiple_of3A_39 : i32
        %multiple_of3A_178 = tpu.assume_multiple %sub3A_177, 128 : i32
        %sub3A_179 = arith.subi %add3A_176, %multiple_of3A_99 : i32
        %multiple_of3A_180 = tpu.assume_multiple %sub3A_179, 128 : i32
        "tpu.region"() ({
          %run_scoped3A = tpu.sem_alloc : memref<!tpu.dma_semaphore, #tpu.memory_space<semaphore_mem>>
          %dma_start3A_181 = arith.constant 0 : i32
          %dma_start3A_182 = tpu.memref_slice %arg9[%dma_start3A_181, %multiple_of3A_180] : memref<8x4096xf32, #tpu.memory_space<vmem>> -> memref<8x128xf32, #tpu.memory_space<vmem>>
          %dma_start3A_183 = tpu.memref_slice %arg2[%multiple_of3A, %multiple_of3A_178] : memref<64x4096xf32, #tpu.memory_space<hbm>> -> memref<8x128xf32, #tpu.memory_space<hbm>>
          %dma_start3A_184 = arith.constant 0 : i32
          %dma_start3A_185 = tpu.memref_slice %arg9[%dma_start3A_184, %multiple_of3A_180] : memref<8x4096xf32, #tpu.memory_space<vmem>> -> memref<8x128xf32, #tpu.memory_space<vmem>>
          %dma_start3A_186 = tpu.memref_slice %arg2[%multiple_of3A, %multiple_of3A_178] : memref<64x4096xf32, #tpu.memory_space<hbm>> -> memref<8x128xf32, #tpu.memory_space<hbm>>
          tpu.enqueue_dma source(%dma_start3A_186 : memref<8x128xf32, #tpu.memory_space<hbm>>) target(%dma_start3A_185 : memref<8x128xf32, #tpu.memory_space<vmem>>) target_semaphore(%run_scoped3A : memref<!tpu.dma_semaphore, #tpu.memory_space<semaphore_mem>>)
          %dma_wait3A_187 = arith.constant 0 : i32
          %dma_wait3A_188 = tpu.memref_slice %arg9[%dma_wait3A_187, %multiple_of3A_180] : memref<8x4096xf32, #tpu.memory_space<vmem>> -> memref<8x128xf32, #tpu.memory_space<vmem>>
          %dma_wait3A_189 = tpu.memref_slice %arg2[%multiple_of3A, %multiple_of3A_178] : memref<64x4096xf32, #tpu.memory_space<hbm>> -> memref<8x128xf32, #tpu.memory_space<hbm>>
          %dma_wait3A_190 = arith.constant 0 : i32
          %dma_wait3A_191 = tpu.memref_slice %arg9[%dma_wait3A_190, %multiple_of3A_180] : memref<8x4096xf32, #tpu.memory_space<vmem>> -> memref<8x128xf32, #tpu.memory_space<vmem>>
          %dma_wait3A_192 = tpu.memref_slice %arg2[%multiple_of3A, %multiple_of3A_178] : memref<64x4096xf32, #tpu.memory_space<hbm>> -> memref<8x128xf32, #tpu.memory_space<hbm>>
          tpu.wait_dma2 semaphore(%run_scoped3A : memref<!tpu.dma_semaphore, #tpu.memory_space<semaphore_mem>>) src(%dma_wait3A_192 : memref<8x128xf32, #tpu.memory_space<hbm>>) dst(%dma_wait3A_191 : memref<8x128xf32, #tpu.memory_space<vmem>>)
          tpu.yield
        }) : () -> ()
      }
      %while3A_172 = arith.constant 1 : i32
      scf.for %while3A_173 = %while3A_170 to %while3A_166 step %while3A_172  : i32 {
        %mul3A_174 = arith.constant 128 : i32
        %mul3A_175 = arith.muli %while3A_173, %mul3A_174 : i32
        %add3A_176 = arith.addi %max3A_109, %mul3A_175 : i32
        %sub3A_177 = arith.subi %add3A_176, %multiple_of3A_39 : i32
        %multiple_of3A_178 = tpu.assume_multiple %sub3A_177, 128 : i32
        %sub3A_179 = arith.subi %add3A_176, %multiple_of3A_99 : i32
        %multiple_of3A_180 = tpu.assume_multiple %sub3A_179, 128 : i32
        "tpu.region"() ({
          %run_scoped3A = tpu.sem_alloc : memref<!tpu.dma_semaphore, #tpu.memory_space<semaphore_mem>>
          %dma_start3A_181 = arith.constant 0 : i32
          %dma_start3A_182 = tpu.memref_slice %arg9[%dma_start3A_181, %multiple_of3A_180] : memref<8x4096xf32, #tpu.memory_space<vmem>> -> memref<8x128xf32, #tpu.memory_space<vmem>>
          %dma_start3A_183 = tpu.memref_slice %arg2[%multiple_of3A, %multiple_of3A_178] : memref<64x4096xf32, #tpu.memory_space<hbm>> -> memref<8x128xf32, #tpu.memory_space<hbm>>
          %dma_start3A_184 = arith.constant 0 : i32
          %dma_start3A_185 = tpu.memref_slice %arg9[%dma_start3A_184, %multiple_of3A_180] : memref<8x4096xf32, #tpu.memory_space<vmem>> -> memref<8x128xf32, #tpu.memory_space<vmem>>
          %dma_start3A_186 = tpu.memref_slice %arg2[%multiple_of3A, %multiple_of3A_178] : memref<64x4096xf32, #tpu.memory_space<hbm>> -> memref<8x128xf32, #tpu.memory_space<hbm>>
          tpu.enqueue_dma source(%dma_start3A_186 : memref<8x128xf32, #tpu.memory_space<hbm>>) target(%dma_start3A_185 : memref<8x128xf32, #tpu.memory_space<vmem>>) target_semaphore(%run_scoped3A : memref<!tpu.dma_semaphore, #tpu.memory_space<semaphore_mem>>)
          %dma_wait3A_187 = arith.constant 0 : i32
          %dma_wait3A_188 = tpu.memref_slice %arg9[%dma_wait3A_187, %multiple_of3A_180] : memref<8x4096xf32, #tpu.memory_space<vmem>> -> memref<8x128xf32, #tpu.memory_space<vmem>>
          %dma_wait3A_189 = tpu.memref_slice %arg2[%multiple_of3A, %multiple_of3A_178] : memref<64x4096xf32, #tpu.memory_space<hbm>> -> memref<8x128xf32, #tpu.memory_space<hbm>>
          %dma_wait3A_190 = arith.constant 0 : i32
          %dma_wait3A_191 = tpu.memref_slice %arg9[%dma_wait3A_190, %multiple_of3A_180] : memref<8x4096xf32, #tpu.memory_space<vmem>> -> memref<8x128xf32, #tpu.memory_space<vmem>>
          %dma_wait3A_192 = tpu.memref_slice %arg2[%multiple_of3A, %multiple_of3A_178] : memref<64x4096xf32, #tpu.memory_space<hbm>> -> memref<8x128xf32, #tpu.memory_space<hbm>>
          tpu.wait_dma2 semaphore(%run_scoped3A : memref<!tpu.dma_semaphore, #tpu.memory_space<semaphore_mem>>) src(%dma_wait3A_192 : memref<8x128xf32, #tpu.memory_space<hbm>>) dst(%dma_wait3A_191 : memref<8x128xf32, #tpu.memory_space<vmem>>)
          tpu.yield
        }) : () -> ()
      }
    } else {
    }
    %dma_start3A_122 = tpu.memref_slice %arg5[%multiple_of3A, %multiple_of3A_99] : memref<64x32768xf32, #tpu.memory_space<hbm>> -> memref<8x4096xf32, #tpu.memory_space<hbm>>
    %dma_start3A_123 = tpu.memref_slice %arg5[%multiple_of3A, %multiple_of3A_99] : memref<64x32768xf32, #tpu.memory_space<hbm>> -> memref<8x4096xf32, #tpu.memory_space<hbm>>
    tpu.enqueue_dma source(%arg9 : memref<8x4096xf32, #tpu.memory_space<vmem>>) target(%dma_start3A_123 : memref<8x4096xf32, #tpu.memory_space<hbm>>) target_semaphore(%arg12 : memref<!tpu.dma_semaphore, #tpu.memory_space<semaphore_mem>>)
    %eq3A_124 = arith.constant 0 : i32
    %eq3A_125 = arith.cmpi eq, %add3A, %eq3A_124 : i32
    %convert_element_type3A_126 = arith.extui %eq3A_125 : i1 to i32
    %cond3A_127 = arith.constant 0 : i32
    %cond3A_128 = arith.cmpi ne, %convert_element_type3A_126, %cond3A_127 : i32
    scf.if %cond3A_128 {
      %add3A_139 = arith.constant 4096 : i32
      %add3A_140 = arith.addi %squeeze3A, %add3A_139 : i32
      %jit3A_141 = arith.constant 32768 : i32
      %eq3A_142 = arith.constant 0 : i32
      %eq3A_143 = arith.cmpi eq, %jit3A_141, %eq3A_142 : i32
      %jit3A_144 = arith.constant 1 : i32
      %select_n3A_145 = arith.select %eq3A_143, %jit3A_144, %jit3A_141 : i32
      %rem3A_146 = arith.remsi %add3A_140, %select_n3A_145 : i32
      %ne3A_147 = arith.constant 0 : i32
      %ne3A_148 = arith.cmpi ne, %rem3A_146, %ne3A_147 : i32
      %lt3A_149 = arith.constant 0 : i32
      %lt3A_150 = arith.cmpi slt, %rem3A_146, %lt3A_149 : i32
      %lt3A_151 = arith.constant 0 : i32
      %lt3A_152 = arith.cmpi slt, %select_n3A_145, %lt3A_151 : i32
      %ne3A_153 = arith.xori %lt3A_150, %lt3A_152 : i1
      %and3A_154 = arith.andi %ne3A_153, %ne3A_148 : i1
      %add3A_155 = arith.addi %rem3A_146, %select_n3A_145 : i32
      %select_n3A_156 = arith.select %and3A_154, %add3A_155, %rem3A_146 : i32
      %broadcast_in_dim3A = vector.broadcast %select_n3A_156 : i32 to vector<16xi32>
      %swap3A = arith.constant 0 : index
      %swap3A_157 = tpu.vector_load %arg7[%swap3A] {strides = array<i32>} : memref<16xi32, #tpu.memory_space<vmem>>, vector<16xi32>,
      %swap3A_158 = vector.shape_cast %swap3A_157 : vector<16xi32> to vector<16xi32>
      %swap3A_159 = vector.shape_cast %broadcast_in_dim3A : vector<16xi32> to vector<16xi32>
      tpu.vector_store %arg7[%swap3A], %swap3A_159 {strides = array<i32>} : memref<16xi32, #tpu.memory_space<vmem>>, vector<16xi32>,
      "tpu.region"() ({
        %run_scoped3A = tpu.sem_alloc : memref<!tpu.dma_semaphore, #tpu.memory_space<semaphore_mem>>
        %dma_start3A_160 = arith.constant 0 : i32
        %dma_start3A_161 = tpu.memref_slice %arg7[%dma_start3A_160] : memref<16xi32, #tpu.memory_space<vmem>> -> memref<1xi32, #tpu.memory_space<vmem>>
        %dma_start3A_162 = arith.constant 0 : i32
        %dma_start3A_163 = tpu.memref_slice %arg7[%dma_start3A_162] : memref<16xi32, #tpu.memory_space<vmem>> -> memref<1xi32, #tpu.memory_space<vmem>>
        tpu.enqueue_dma source(%dma_start3A_163 : memref<1xi32, #tpu.memory_space<vmem>>) target(%arg6 : memref<1xi32, #tpu.memory_space<hbm>>) target_semaphore(%run_scoped3A : memref<!tpu.dma_semaphore, #tpu.memory_space<semaphore_mem>>)
        %dma_wait3A_164 = arith.constant 0 : i32
        %dma_wait3A_165 = tpu.memref_slice %arg7[%dma_wait3A_164] : memref<16xi32, #tpu.memory_space<vmem>> -> memref<1xi32, #tpu.memory_space<vmem>>
        %dma_wait3A_166 = arith.constant 0 : i32
        %dma_wait3A_167 = tpu.memref_slice %arg7[%dma_wait3A_166] : memref<16xi32, #tpu.memory_space<vmem>> -> memref<1xi32, #tpu.memory_space<vmem>>
        tpu.wait_dma2 semaphore(%run_scoped3A : memref<!tpu.dma_semaphore, #tpu.memory_space<semaphore_mem>>) src(%dma_wait3A_167 : memref<1xi32, #tpu.memory_space<vmem>>) dst(%arg6 : memref<1xi32, #tpu.memory_space<hbm>>)
        tpu.yield
      }) : () -> ()
    } else {
    }
    %add3A_129 = arith.constant 0 : i32
    %add3A_130 = arith.addi %mul3A_34, %add3A_129 : i32
    %multiple_of3A_131 = tpu.assume_multiple %add3A_130, 128 : i32
    %dma_wait3A_132 = tpu.memref_slice %arg5[%multiple_of3A, %multiple_of3A_131] : memref<64x32768xf32, #tpu.memory_space<hbm>> -> memref<8x4096xf32, #tpu.memory_space<hbm>>
    %dma_wait3A_133 = tpu.memref_slice %arg5[%multiple_of3A, %multiple_of3A_131] : memref<64x32768xf32, #tpu.memory_space<hbm>> -> memref<8x4096xf32, #tpu.memory_space<hbm>>
    tpu.wait_dma2 semaphore(%arg12 : memref<!tpu.dma_semaphore, #tpu.memory_space<semaphore_mem>>) src(%arg8 : memref<8x4096xf32, #tpu.memory_space<vmem>>) dst(%dma_wait3A_133 : memref<8x4096xf32, #tpu.memory_space<hbm>>)
    %add3A_134 = arith.constant 4096 : i32
    %add3A_135 = arith.addi %mul3A_34, %add3A_134 : i32
    %multiple_of3A_136 = tpu.assume_multiple %add3A_135, 128 : i32
    %dma_wait3A_137 = tpu.memref_slice %arg5[%multiple_of3A, %multiple_of3A_136] : memref<64x32768xf32, #tpu.memory_space<hbm>> -> memref<8x4096xf32, #tpu.memory_space<hbm>>
    %dma_wait3A_138 = tpu.memref_slice %arg5[%multiple_of3A, %multiple_of3A_136] : memref<64x32768xf32, #tpu.memory_space<hbm>> -> memref<8x4096xf32, #tpu.memory_space<hbm>>
    tpu.wait_dma2 semaphore(%arg12 : memref<!tpu.dma_semaphore, #tpu.memory_space<semaphore_mem>>) src(%arg9 : memref<8x4096xf32, #tpu.memory_space<vmem>>) dst(%dma_wait3A_138 : memref<8x4096xf32, #tpu.memory_space<hbm>>)
    return
  }
}

</mosaic_0001>

<sc_bundles>
// kernel: kernel.3.cloned.1.call-start
scs
__scs_entry_jumppad:
0x0: {  	(pc) =	sbr.rel $0x88, $3  }
0x1: {  	(tag) =	ssettag $0x0;
	lr =	simm.s32 $0x1  }
0x2: {  	[smem:$0x3F9E] =	sst lr;
	_ =	strace $0xD0000000  }
0x3: {  	_ = 	snop  }
0x4: {  	_ = 	snop  }
0x5: {  	_ = 	snop  }
0x6: {  	_ = 	snop  }
0x7: {  	_ = 	snop  }
__scs_overlays_trampoline_lowered:
0x8: {  	[smem:$0x3FAD] =	sst s0  }
0x9: {  	[smem:$0x3FAE] =	sst s1  }
0xa: {  	[smem:$0x3FAF] =	sst s2  }
0xb: {  	[smem:$0x3FB0] =	sst s3  }
0xc: {  	[smem:$0x3FB1] =	sst s4  }
0xd: {  	[smem:$0x3FB2] =	sst s5  }
0xe: {  	[smem:$0x3FB3] =	sst s6  }
0xf: {  	[smem:$0x3FB4] =	sst s7  }
0x10: {  	[smem:$0x3FB5] =	sst s8  }
0x11: {  	[smem:$0x3FB6] =	sst s9;
	s0 =	simm.s32 @!p0 $0x0  }
0x12: {  	s1 =	sld [smem:$0x3F9C];
	s0 =	simm.s32 @p0 $0x1  }
0x13: {  	[smem:$0x3FB7] =	sst s0;
	s0 =	simm.s32 @!p1 $0x0  }
0x14: {  	s2 =	sld [smem:$0x3F9B];
	s0 =	simm.s32 @p1 $0x1  }
0x15: {  	[smem:$0x3FB8] =	sst s0;
	s0 =	simm.s32 @!p2 $0x0  }
0x16: {  	s3 =	sld [smem:$0x3FDB];
	s0 =	simm.s32 @p2 $0x1  }
0x17: {  	s4 =	simm.s32 $0x1BF5;
	[smem:$0x3FBA] =	sst s0  }
0x18: {  	s0 =	sld [smem:$0x3F9D];
	_ =	swait.ge [sflag:s4], $0x0  }
0x19: {  	s7 =	sld [smem:$0x3F9E]  }
0x1a: {  	s8 =	sadd.s32 $0xFFFFE003, lr  }
0x1b: {  	s9 =	sadd.s32 $0xFFFFFEF7, lr;
	s5 =	simm.s32 $0xFFFFFFFF;
	p2 =	slt.u32 s8, $0xFFFFF086  }
0x1c: {  	p1 =	slt.u32 s9, $0xF7A;
	s5 =	simm.s32 @!p2 $0x0  }
0x1d: {  	s5 =	simm.s32 @p1 $0x1;
	p0 =	seq.s32 s7, s2  }
0x1e: {  	s7 =	smul.u32 @!p0 $0xF7A, s2;
	p2 =	seq.s32 @!p0 s5, $0x0  }
0x1f: {  	s9 =	smul.u32 $0xF7A, s1;
	s8 =	simm.s32 @!p0 $0x1BF5;
	p2 =	por !p2, p0  }
0x20: {  	[sflag:s8] =	ssyncset.s32 @!p0 $0xFFFFF086;
	s6 =	sadd.s32 @!p0 s3, s7;
	s7 =	simm.s32 @!p0 $0x108  }
0x21: {  	s3 =	sadd.s32 s3, s9;
	s6 =	sadd.s32 @!p0 $0x88, s6;
	s7 =	simm.s32 @p2 $0x1082  }
0x22: {  	[simem:s7], [sflag:s8] =	dma.local @!p0 [hbm:s6], $0xF7A  }
0x23: {  	s9 =	sor.u32 $0xD0000000, s2;
	s6 =	simm.s32 $0x108;
	_ =	swait.ge @!p0 [sflag:s8], $0x0  }
0x24: {  	s3 =	sadd.s32 $0x88, s3;
	s6 =	simm.s32 @!p1 $0x1082;
	[sflag:s4] =	ssyncset.s32 $0xFFFFF086  }
0x25: {  	[simem:s6], [sflag:s4] =	dma.local [hbm:s3], $0xF7A  }
0x26: {  	[smem:$0x3F9E] =	sst s1;
	(tag) =	ssettag s2;
	_ =	strace s9  }
0x27: {  	s1 =	sld [smem:$0x3FAE]  }
0x28: {  	s2 =	sld [smem:$0x3FAF]  }
0x29: {  	s4 =	sld [smem:$0x3FB1]  }
0x2a: {  	p0 =	seq.s32 s5, $0x0;
	s5 =	sld [smem:$0x3FB2]  }
0x2b: {  	s6 =	sld [smem:$0x3FB3]  }
0x2c: {  	s7 =	sld [smem:$0x3FB4]  }
0x2d: {  	s3 =	simm.s32 $0x108;
	s8 =	sld [smem:$0x3FB5]  }
0x2e: {  	s3 =	simm.s32 @!p0 $0x1082;
	s9 =	sld [smem:$0x3FB6]  }
0x2f: {  	lr =	sadd.s32 s0, s3;
	s0 =	sld [smem:$0x3FAD]  }
0x30: {  	s3 =	sld [smem:$0x3FB0]  }
0x31: {  	[smem:$0x3FB9] =	sst s10  }
0x32: {  	s10 =	sld [smem:$0x3FB7];
	_ =	sdelay $0x3  }
0x33: {  	p0 =	seq.s32 s10, $0x1;
	s10 =	sld [smem:$0x3FB9];
	_ =	sdelay $0x3  }
0x34: {  	[smem:$0x3FB9] =	sst s10  }
0x35: {  	s10 =	sld [smem:$0x3FB8];
	_ =	sdelay $0x3  }
0x36: {  	p1 =	seq.s32 s10, $0x1;
	s10 =	sld [smem:$0x3FB9];
	_ =	sdelay $0x3  }
0x37: {  	[smem:$0x3FB9] =	sst s10  }
0x38: {  	s10 =	sld [smem:$0x3FBA]  }
0x39: {  	_ = 	snop;
	(pc) =	sbr.ind lr, $3  }
0x3a: {  	_ = 	snop  }
0x3b: {  	_ = 	snop  }
0x3c: {  	p2 =	seq.s32 s10, $0x1;
	s10 =	sld [smem:$0x3FB9]  }
0x3d: {  	_ =	shalt  }
0x3e: {  	_ =	shalt  }
0x3f: {  	_ =	shalt  }
0x40: {  	_ =	shalt  }
0x41: {  	_ =	shalt  }
0x42: {  	_ =	shalt  }
0x43: {  	_ =	shalt  }
0x44: {  	_ =	shalt  }
0x45: {  	_ =	shalt  }
0x46: {  	_ =	shalt  }
0x47: {  	_ =	shalt  }
0x48: {  	_ =	shalt  }
0x49: {  	_ =	shalt  }
0x4a: {  	_ =	shalt  }
0x4b: {  	_ =	shalt  }
0x4c: {  	_ =	shalt  }
0x4d: {  	_ =	shalt  }
0x4e: {  	_ =	shalt  }
0x4f: {  	_ =	shalt  }
0x50: {  	_ =	shalt  }
0x51: {  	_ =	shalt  }
0x52: {  	_ =	shalt  }
0x53: {  	_ =	shalt  }
0x54: {  	_ =	shalt  }
0x55: {  	_ =	shalt  }
0x56: {  	_ =	shalt  }
0x57: {  	_ =	shalt  }
0x58: {  	_ =	shalt  }
0x59: {  	_ =	shalt  }
0x5a: {  	_ =	shalt  }
0x5b: {  	_ =	shalt  }
0x5c: {  	_ =	shalt  }
0x5d: {  	_ =	shalt  }
0x5e: {  	_ =	shalt  }
0x5f: {  	_ =	shalt  }
0x60: {  	_ =	shalt  }
0x61: {  	_ =	shalt  }
0x62: {  	_ =	shalt  }
0x63: {  	_ =	shalt  }
0x64: {  	_ =	shalt  }
0x65: {  	_ =	shalt  }
0x66: {  	_ =	shalt  }
0x67: {  	_ =	shalt  }
0x68: {  	_ =	shalt  }
0x69: {  	_ =	shalt  }
0x6a: {  	_ =	shalt  }
0x6b: {  	_ =	shalt  }
0x6c: {  	_ =	shalt  }
0x6d: {  	_ =	shalt  }
0x6e: {  	_ =	shalt  }
0x6f: {  	_ =	shalt  }
0x70: {  	_ =	shalt  }
0x71: {  	_ =	shalt  }
0x72: {  	_ =	shalt  }
0x73: {  	_ =	shalt  }
0x74: {  	_ =	shalt  }
0x75: {  	_ =	shalt  }
0x76: {  	_ =	shalt  }
0x77: {  	_ =	shalt  }
0x78: {  	_ =	shalt  }
0x79: {  	_ =	shalt  }
0x7a: {  	_ =	shalt  }
0x7b: {  	_ =	shalt  }
0x7c: {  	_ =	shalt  }
0x7d: {  	_ =	shalt  }
0x7e: {  	_ =	shalt  }
0x7f: {  	_ =	shalt  }
0x80: {  	_ =	shalt  }
0x81: {  	_ =	shalt  }
0x82: {  	_ =	shalt  }
0x83: {  	_ =	shalt  }
0x84: {  	_ =	shalt  }
0x85: {  	_ =	shalt  }
0x86: {  	_ =	shalt  }
0x87: {  	_ =	shalt  }
.Lfunc_end0:
.L_simem_size_0:
called_computation_lowered:
.L_overlay_start_0:
0x88: {  	s2 =	sld [smem:$0x3FD9]  }
0x89: {  	s3 =	sld [smem:$0x3FFE];
	_ =	sdelay $0x1  }
0x8a: {  	s1 =	srdreg.scid  }
0x8b: {  	s0 =	sand.u32 $0x1, s1  }
0x8c: {  	s15 =	sshll.u32 s0, $0xA;
	s2 =	sadd.s32 s3, s2  }
0x8d: {  	s2 =	sadd.s32 s2, s15  }
0x8e: {  	[smem:$0x3FC5] =	sst s2  }
0x8f: {  	_ = 	snop  }
0x90: {  	s2 =	sld [smem:$0x3FD0]  }
0x91: {  	s16 =	sld [smem:$0x3FC9]  }
0x92: {  	s4 =	sld [smem:$0x3FC8]  }
0x93: {  	s6 =	simm.s32 $0xA;
	s7 =	simm.s32 $0x10;
	s5 =	sld [smem:$0x3FC7]  }
0x94: {  	[smem:s7], [sflag:s6] =	dma.local [hbm:s2], $0x1  }
0x95: {  	_ =	swait.eq [sflag:s6], $0x1  }
0x96: {  	[sflag:s6] =	ssyncset.done $0x0  }
0x97: {  	s17 =	sld [smem:$0x10];
	[sflag:s6] =	ssyncadd.s32 $0xFFFFFFFF  }
0x98: {  	s18 =	sld [smem:$0x11];
	(tm) =	ssettm $0x1  }
0x99: {  	s19 =	sld [smem:$0x3FFB];
	_ =	sdelay $0x3  }
0x9a: {  	_ =	strace s19  }
0x9b: {  	s7 =	sld [smem:$0x3FFC];
	_ =	sdelay $0x3  }
0x9c: {  	_ =	strace s7  }
0x9d: {  	s7 =	sld [smem:$0x3FFD];
	_ =	sdelay $0x3  }
0x9e: {  	_ =	strace s7  }
0x9f: {  	_ =	strace $0x8FFFFFFF  }
0xa0: {  	s20 =	sld [smem:$0x3FDB];
	_ =	sdelay $0x1  }
0xa1: {  	s8 =	simm.s32 $_scs_section_size  }
0xa2: {  	s9 =	simm.s32 $_size__tile_overlayer_lowered;
	s10 =	simm.s32 $_tile_overlayer_lowered  }
0xa3: {  	s23 =	simm.s32 $0x1BFF;
	s22 =	sshll.u32 s10, $0x1;
	s7 =	sadd.s32 s8, s20  }
0xa4: {  	s11 =	simm.s32 $0x0;
	s21 =	sshll.u32 s9, $0x1;
	s9 =	sadd.s32 s22, s7  }
0xa5: {  	[timem:s11], [sflag:s23] =	dma.local [hbm:s9], s21  }
0xa6: {  	_ =	swait.ge [sflag:s23], s21  }
0xa7: {  	s8 =	ssub.s32 $0x0, s21;
	[sflag:s23] =	ssyncset.done $0x0  }
0xa8: {  	[sflag:s23] =	ssyncadd.s32 s8;
	_ =	sdelay $0x1  }
0xa9: {  	s24 =	simm.s32 $0x1B8B  }
0xaa: {  	_ =	swait.ge [sflag:s24], $0x1  }
0xab: {  	[sflag:s24] =	ssyncset.done $0x0  }
0xac: {  	s25 =	simm.s32 $0x1B8E;
	[sflag:s24] =	ssyncadd.s32 $0xFFFFFFFF  }
0xad: {  	s26 =	simm.s32 $execute0_lowered;
	[smem:$0x3FD2] =	sst s25  }
0xae: {  	s8 =	sshll.u32 s26, $0x1;
	_ =	strace $0x80000046;
	[dreg:$0x1] =	wrdreg $0xFFFFFFFF  }
0xaf: {  	s28 =	simm.s32 $_size_execute0_lowered;
	s7 =	sadd.s32 s7, s8;
	[dreg:$0x0] =	wrdreg $0x0  }
0xb0: {  	s8 =	sshll.u32 s28, $0x1;
	[dreg:$0x2] =	wrdreg s7  }
0xb1: {  	[dreg:$0x3] =	wrdreg s8  }
0xb2: {  	[dreg:$0x4] =	wrdreg $0xC0  }
0xb3: {  	_ =	task [dreg:s11], $0x5FFFF  }
0xb4: {  	[dreg:$0x1] =	wrdreg $0xFFFFFFFF  }
0xb5: {  	[dreg:$0x0] =	wrdreg $0x60  }
0xb6: {  	[dreg:$0x2] =	wrdreg s16  }
0xb7: {  	[dreg:$0x3] =	wrdreg s4  }
0xb8: {  	[dreg:$0x4] =	wrdreg s5  }
0xb9: {  	[dreg:$0x5] =	wrdreg s17  }
0xba: {  	[dreg:$0x6] =	wrdreg s18  }
0xbb: {  	[dreg:$0x7] =	wrdreg $0x9  }
0xbc: {  	_ =	task.clear_ibuf [dreg:s11], $0x8FFFF;
	_ =	strace $0x90000046  }
0xbd: {  	s29 =	simm.s32 $0x9;
	_ =	strace $0x80000048  }
0xbe: {  	_ =	swait.ge [sflag:s29], $0x1  }
0xbf: {  	[sflag:s29] =	ssyncadd.s32 $0xFFFFFFFF  }
0xc0: {  	_ =	strace $0x90000048  }
0xc1: {  	_ =	sfence  }
0xc2: {  	s30 =	sld [smem:$0x0];
	_ =	sdelay $0x2  }
0xc3: {  	s31 =	sshll.u32 s1, $0xD;
	s1 =	sshrl.u32 s1, $0x2  }
0xc4: {  	s3 =	sand.u32 $0x4000, s31;
	s1 =	sadd.s32 s1, s30  }
0xc5: {  	s0 =	sor.u32 s3, s0;
	s1 =	sshll.u32 s1, $0x11  }
0xc6: {  	s0 =	sor.u32 s1, s0  }
0xc7: {  	s0 =	sadd.s32 $0x8F2B, s0  }
0xc8: {  	[sflag:s0] =	ssyncadd.remote.s32 $0x1  }
0xc9: {  	_ =	sfence.sel $0xFFFF  }
0xca: {  	[dreg:$0x0] =	wrdreg $0xFFFFFFFF;
	(pc) =	sbr.abs _section_cstart, $3  }
0xcb: {  	[dreg:$0x1] =	wrdreg $0xFFFFFFFF  }
0xcc: {  	_ =	task.clear_ibuf [dreg:s11], $0x2FFFF;
	_ =	strace $0x9FFFFFFF  }
0xcd: {  	(tm) =	ssettm $0x7FFFFFFF  }
tec
execute0_lowered:
.L_overlay_start_1:
0x0: {  	(tag) =	ssettag $0x1  }
0x1: {  	s0 =	rddreg [dreg:$0x0]  }
0x2: {  	s1 =	rddreg [dreg:$0x1]  }
0x3: {  	s3 =	rddreg [dreg:$0x3]  }
0x4: {  	s5 =	srdreg.scid;
	s2 =	stileid.u32  }
0x5: {  	s9 =	simm.s32 $0x1;
	s6 =	sand.u32 $0x1, s5;
	s5 =	simm.s32 $0x0  }
0x6: {  	s18 =	sand.u32 $0x3, s2;
	s7 =	sshll.u32 s6, $0x4;
	[smem:$0x7FF] =	sst s5  }
0x7: {  	p1 =	sne.s32 s18, $0x0;
	s20 =	ssub.s32 $0x2, s6;
	s6 =	sshll.u32 s18, $0xD  }
0x8: {  	s24 =	sshll.u32 s18, $0x12;
	s29 =	sshll.u32 s18, $0x10;
	s25 =	sor.u32 s2, s7  }
0x9: {  	_ =	strace $0x80000047;
	s8 =	sshrl.u32 s20, $0x1;
	s7 =	sor.u32 $0x1000, s6  }
0xa: {  	s21 =	sadd.s32 s1, s6;
	s12 =	sadd.s32 $0x2000, s6;
	s22 =	sadd.s32 s3, s6  }
0xb: {  	s26 =	ssub.s32 $0x0, s24;
	s31 =	sxor.u32 $0xFFFF8000, s29;
	p0 =	seq.s32 s25, $0x0  }
0xc: {  	s24 =	simm.s32 $0x2;
	s10 =	sshrl.u32 s25, $0x2;
	p0 =	por !p1, !p0  }
0xd: {  	s17 =	ssub.s32 s20, s8;
	s8 =	simm.s32 $0x1;
	p0 =	por !p0, !p0  }
0xe: {  	s1 =	sadd.s32 s1, s7;
	s23 =	sadd.s32 s3, s7;
	s9 =	simm.s32 @!p0 $0x0  }
0xf: {  	s20 =	sadd.s32 $0x8080, s31;
	s17 =	smax.u32 s17, $0x1;
	s19 =	ssub.s32 s10, s9  }
0x10: {  	p0 =	sne.s32 s25, $0x0;
	s25 =	simm.s32 $0x3;
	s9 =	sshll.u32 s19, $0xC  }
0x11: {  	s11 =	sshll.u32 s19, $0xF;
	s28 =	sand.u32 $0x1FFFF, s19;
	s10 =	sadd.s32 s6, s9  }
.Ltmp0:
0x12: {  	s16 =	sand.u32 $0x1FFF8000, s11;
	s13 =	sadd.s32 s7, s9;
	(pc) =	sbr.rel .LBB2_1-.Ltmp0, $4  }
0x13: {  	s30 =	sshll.u32 s28, $0xC;
	s11 =	sadd.s32 s16, s21;
	s14 =	sadd.s32 s16, s1  }
0x14: {  	s15 =	sadd.s32 s16, s22;
	s16 =	sadd.s32 s16, s23;
	s1 =	sshra.s32 s26, $0x2  }
0x15: {  	s19 =	sadd.s32 s30, s0;
	s21 =	simm.s32 $0x4;
	s22 =	simm.s32 $0x80  }
0x16: {  	s23 =	simm.s32 $0x8080;
	s26 =	simm.s32 $0x0;
	s18 =	sor.u32 $0x80, s1  }
.LBB2_8:
0x17: {  	[sflag:s21] =	ssyncadd.s32 $0xFFFFFC00  }
.LBB2_9:
0x18: {  	s1 =	sadd.s32 @!p0 $0x1000, s28  }
0x19: {  	s1 =	sand.u32 @!p0 $0x7FFF, s1  }
0x1a: {  	[hbm4b:s16+s5] =	stream.linear.scatter [tilespmem:s23], [sflag:$0x3], $0x8000, $0x38;
	v0 =	vmov @!p0 s1;
	[tilespmem:$0x10080] =	vst v63  }
0x1b: {  	s2 =	rddreg [dreg:$0x4];
	s1 =	simm.s32 @!p0 $0x0;
	[tilespmem:$0x0] =	vst @!p0 v0  }
0x1c: {  	[hbm4b:s2+s1] =	stream.linear.scatter @!p0 [tilespmem:s1], [sflag:$0x4], $0x1, $0x38;
	[tilespmem:$0x10080] =	vst v63  }
0x1d: {  	s1 =	simm.s32 @!p0 $0x4  }
0x1e: {  	_ =	swait.ge @!p0 [sflag:s1], $0x1  }
0x1f: {  	[sflag:s1] =	ssyncset.done @!p0 $0x0  }
0x20: {  	s26 =	sadd.s32 $0x1, s26;
	[sflag:s1] =	ssyncadd.s32 @!p0 $0xFFFFFFFF  }
0x21: {  	p1 =	sne.s32 s26, s17;
	_ =	swait.ge [sflag:s25], $0x8000  }
.Ltmp1:
0x22: {  	[sflag:s25] =	ssyncset.done $0x0;
	(pc) =	sbr.rel @!p1 .LBB2_10-.Ltmp1, $4  }
0x23: {  	[sflag:s25] =	ssyncadd.s32 $0xFFFF8000  }
0x24: {  	_ =	swait.ge [sflag:s25], $0x8000  }
0x25: {  	[sflag:s25] =	ssyncset.done $0x0  }
0x26: {  	[sflag:s25] =	ssyncadd.s32 $0xFFFF8000  }
.LBB2_1:
0x27: {  	s1 =	rddreg [dreg:$0x2]  }
0x28: {  	[tilespmem:s5], [sflag:$0x4] =	stream.linear.gather [hbm4b:s1+s5], $0x1, $0x38;
	[tilespmem:$0x10080] =	vst v63  }
0x29: {  	_ =	swait.ge [sflag:s21], $0x1  }
0x2a: {  	[sflag:s21] =	ssyncset.done $0x0  }
0x2b: {  	[sflag:s21] =	ssyncadd.s32 $0xFFFFFFFF  }
0x2c: {  	v0 =	vld [tilespmem:$0x0];
	_ =	sdelay $0x4  }
0x2d: {  	(v2sf) =	vpush v0, $0x0;
	_ =	sdelay $0xe  }
0x2e: {  	s28 =	spop (v2sf)  }
0x2f: {  	p1 =	sgt.s32 s28, $0x0;
	s1 =	smov.u32 s28  }
0x30: {  	s1 =	simm.s32 @!p1 $0x0  }
0x31: {  	s29 =	smin.u32 s1, $0x7000  }
0x32: {  	s3 =	ssub.s32 s10, s29  }
0x33: {  	p5 =	sgt.s32 s28, s6;
	p2 =	slt.u32 s1, s6;
	s4 =	sand.u32 $0x1FFFFF80, s3  }
0x34: {  	p2 =	por p5, p2;
	s1 =	sadd.s32 s0, s4  }
0x35: {  	s30 =	sadd.s32 $0x1000, s29;
	s31 =	ssub.s32 s13, s29;
	s1 =	smov.u32 @p2 s11  }
0x36: {  	[tilespmem:s22], [sflag:$0x1] =	stream.linear.gather [hbm4b:s1+s5], $0x8000, $0x38;
	[tilespmem:$0x10080] =	vst v63  }
0x37: {  	p6 =	sgt.u32 s29, s7;
	p3 =	sgt.u32 s12, s30;
	s1 =	sand.u32 $0x1FFFFF80, s31  }
0x38: {  	p1 =	por p6, p3;
	s1 =	sadd.s32 s0, s1  }
0x39: {  	s1 =	smov.u32 @p1 s14  }
0x3a: {  	[tilespmem:s23], [sflag:$0x2] =	stream.linear.gather [hbm4b:s1+s5], $0x8000, $0x38;
	[tilespmem:$0x10080] =	vst v63  }
0x3b: {  	s3 =	smin.u32 s7, s30;
	s1 =	smax.u32 s6, s29  }
0x3c: {  	p3 =	sle.u32 @p2 s3, s1  }
0x3d: {  	p2 =	por !p2, p3  }
.Ltmp2:
0x3e: {  	_ = 	snop;
	(pc) =	sbr.rel @p2 .LBB2_5-.Ltmp2, $4  }
0x3f: {  	_ = 	snop  }
0x40: {  	_ =	swait.ge [sflag:s8], $0x8000  }
0x41: {  	[sflag:s8] =	ssyncset.done $0x0  }
0x42: {  	[sflag:s8] =	ssyncadd.s32 $0xFFFF8000  }
0x43: {  	s3 =	ssub.s32 s3, s1  }
0x44: {  	s3 =	sshrl.u32 s3, $0x7  }
0x45: {  	s3 =	smax.u32 s3, $0x1  }
0x46: {  	s31 =	sadd.s32 s1, s9;
	p2 =	sne.s32 s3, $0x1  }
.Ltmp3:
0x47: {  	s2 =	ssub.s32 s31, s29;
	(pc) =	sbr.rel @!p2 .LBB2_4-.Ltmp3, $4  }
0x48: {  	s1 =	sshll.u32 s1, $0x3;
	s4 =	sand.u32 $0x1FFFFF80, s2  }
0x49: {  	s31 =	sadd.s32 s1, s18;
	s4 =	sadd.s32 s0, s4  }
0x4a: {  	[tilespmem:s31], [sflag:$0x4] =	stream.linear.gather [hbm4b:s4+s5], $0x400, $0x38;
	[tilespmem:$0x10080] =	vst v63  }
0x4b: {  	s1 =	sadd.s32 $0xFFFFFFFF, s3;
	s3 =	sadd.s32 $0x80, s2;
	_ =	swait.ge [sflag:s21], $0x400  }
.LBB2_3:
0x4c: {  	s2 =	sand.u32 $0x1FFFFF80, s3  }
0x4d: {  	[sflag:s21] =	ssyncset.done $0x0;
	s31 =	sadd.s32 $0x400, s31;
	p2 =	sne.s32 s1, $0x1  }
.Ltmp4:
0x4e: {  	s2 =	sadd.s32 s0, s2;
	[sflag:s21] =	ssyncadd.s32 $0xFFFFFC00;
	(pc) =	sbr.rel @p2 .LBB2_3-.Ltmp4, $3  }
0x4f: {  	[tilespmem:s31], [sflag:$0x4] =	stream.linear.gather [hbm4b:s2+s5], $0x400, $0x38;
	[tilespmem:$0x10080] =	vst v63  }
0x50: {  	s1 =	sadd.s32 $0xFFFFFFFF, s1;
	_ =	sdelay $0x1  }
0x51: {  	s3 =	sadd.s32 $0x80, s3;
	_ =	swait.ge [sflag:s21], $0x400  }
.LBB2_4:
0x52: {  	[sflag:s21] =	ssyncset.done $0x0  }
0x53: {  	[sflag:s21] =	ssyncadd.s32 $0xFFFFFC00  }
.LBB2_5:
0x54: {  	s1 =	smax.u32 s7, s29;
	s3 =	smin.u32 s12, s30  }
0x55: {  	p1 =	por !p1, !p1;
	p2 =	sle.u32 s3, s1  }
0x56: {  	p1 =	por p1, p2  }
.Ltmp5:
0x57: {  	_ = 	snop;
	(pc) =	sbr.rel @p1 .LBB2_9-.Ltmp5, $4  }
0x58: {  	[hbm4b:s15+s5] =	stream.linear.scatter [tilespmem:s22], [sflag:$0x3], $0x8000, $0x38;
	[tilespmem:$0x10080] =	vst v63  }
0x59: {  	_ =	swait.ge [sflag:s24], $0x8000  }
0x5a: {  	[sflag:s24] =	ssyncset.done $0x0  }
0x5b: {  	[sflag:s24] =	ssyncadd.s32 $0xFFFF8000  }
0x5c: {  	s2 =	ssub.s32 s3, s1  }
0x5d: {  	s2 =	sshrl.u32 s2, $0x7  }
0x5e: {  	s2 =	smax.u32 s2, $0x1  }
0x5f: {  	p1 =	sne.s32 s2, $0x1  }
.Ltmp6:
0x60: {  	s4 =	sadd.s32 s1, s19;
	s31 =	sshll.u32 s1, $0x3;
	(pc) =	sbr.rel @!p1 .LBB2_8-.Ltmp6, $4  }
0x61: {  	s29 =	ssub.s32 s4, s29;
	s30 =	sadd.s32 s31, s20  }
0x62: {  	[tilespmem:s30], [sflag:$0x4] =	stream.linear.gather [hbm4b:s29+s5], $0x400, $0x38;
	[tilespmem:$0x10080] =	vst v63  }
0x63: {  	_ =	swait.ge [sflag:s21], $0x400  }
0x64: {  	s1 =	sadd.s32 $0xFFFFFFFF, s2;
	[sflag:s21] =	ssyncset.done $0x0  }
.LBB2_7:
0x65: {  	[sflag:s21] =	ssyncadd.s32 $0xFFFFFC00  }
0x66: {  	s29 =	sadd.s32 $0x80, s29;
	s30 =	sadd.s32 $0x400, s30;
	p1 =	sne.s32 s1, $0x1  }
.Ltmp7:
0x67: {  	s1 =	sadd.s32 $0xFFFFFFFF, s1;
	(pc) =	sbr.rel @p1 .LBB2_7-.Ltmp7, $4  }
0x68: {  	_ = 	snop  }
0x69: {  	[tilespmem:s30], [sflag:$0x4] =	stream.linear.gather [hbm4b:s29+s5], $0x400, $0x38;
	[tilespmem:$0x10080] =	vst v63  }
0x6a: {  	_ =	swait.ge [sflag:s21], $0x400  }
0x6b: {  	[sflag:s21] =	ssyncset.done $0x0  }
.Ltmp8:
0x6c: {  	_ = 	snop;
	(pc) =	sbr.rel .LBB2_8-.Ltmp8, $1  }
0x6d: {  	_ =	sdelay $0x3  }
.LBB2_10:
0x6e: {  	_ =	sfence.sel $0x180000  }
0x6f: {  	[bflag:$0x0] =	sbarrier.arrive $0xFFFF  }
0x70: {  	_ =	strace $0x90000047  }
0x71: {  	s0 =	stileid.u32;
	[bflag:$0x2] =	sbarrier.arrive $0xFFFF  }
0x72: {  	p0 =	sne.s32 s0, $0x0;
	s0 =	rddreg [dreg:$0x5]  }
0x73: {  	s0 =	sadd.s32 @!p0 $0x100000, s0  }
0x74: {  	[sflag:s0] =	ssyncadd.tile.s32 @!p0 $0x1;
	_ =	shalt  }
.Lfunc_end2:
_tile_overlayer_lowered:
.L_overlay_start_2:
0x75: {  	(tag) =	ssettag $0x2  }
0x76: {  	s0 =	rddreg [dreg:$0x0];
	s2 =	stileid.u32  }
0x77: {  	s1 =	rddreg [dreg:$0x1];
	p0 =	sne.s32 s2, $0x0  }
0x78: {  	s3 =	rddreg [dreg:$0x2];
	[bflag:$0x3] =	sbarrier.arrive $0xFFFF;
	s2 =	simm.s32 @!p0 $0x1C04  }
0x79: {  	[timem:s3], [sflag:s2] =	dma.local @!p0 [hbm:s0], s1  }
0x7a: {  	s0 =	simm.s32 @!p0 $0x4  }
0x7b: {  	_ =	swait.ge @!p0 [sflag:s0], s1  }
0x7c: {  	s1 =	ssub.s32 @!p0 $0x0, s1;
	[sflag:s0] =	ssyncset.done @!p0 $0x0  }
0x7d: {  	[sflag:s0] =	ssyncadd.s32 @!p0 s1  }
0x7e: {  	[bflag:$0x3] =	sbarrier.arrive $0xFFFF  }
0x7f: {  	_ =	shalt  }

</sc_bundles>
